<compile_context>
chip_gen: v7x
topology: tpu7x:2x2x1
jax: 0.10.2.dev20260603
libtpu: 0.0.44.dev20260713+nightly
codegen_flags: <defaults>
</compile_context>

<pallas_src>
import functools

import jax
import jax.numpy as jnp
from jax import lax
from jax.experimental import pallas as pl
from jax.experimental.pallas import tpu as pltpu
from jax.experimental.pallas import tpu_sc as plsc

_DIM = 768
_NE = 8
_TOKENS = 32768
_BLK = 4096

_NW = 32
_CHUNK = _TOKENS // _NW
_L = 16
_GROUPS = _CHUNK // _L


def _logits_body(x_ref, w_ref, b_ref, out_ref):
    out_ref[...] = jnp.dot(x_ref[...], w_ref[...]) + b_ref[...]


def _tc_logits(x, w, b2):
    return pl.pallas_call(
        _logits_body,
        grid=(_TOKENS // _BLK,),
        in_specs=[
            pl.BlockSpec((_BLK, _DIM), lambda i: (i, 0)),
            pl.BlockSpec((_DIM, _NE), lambda i: (0, 0)),
            pl.BlockSpec((1, _NE), lambda i: (0, 0)),
        ],
        out_specs=pl.BlockSpec((_BLK, _NE), lambda i: (i, 0)),
        out_shape=jax.ShapeDtypeStruct((_TOKENS, _NE), jnp.float32),
        compiler_params=pltpu.CompilerParams(
            dimension_semantics=("arbitrary",),
        ),
    )(x, w, b2)


@functools.partial(
    pl.kernel,
    mesh=plsc.VectorSubcoreMesh(core_axis_name="c", subcore_axis_name="s"),
    out_type=[
        jax.ShapeDtypeStruct((_TOKENS * _NE,), jnp.float32),
        jax.ShapeDtypeStruct((_TOKENS,), jnp.int32),
    ],
    scratch_types=[
        pltpu.VMEM((_CHUNK * _NE,), jnp.float32),
        pltpu.VMEM((_CHUNK * _NE,), jnp.float32),
        pltpu.VMEM((_CHUNK,), jnp.int32),
    ],
    compiler_params=pltpu.CompilerParams(needs_layout_passes=False, skip_device_barrier=True),
)
def _sc_route(logits_hbm, router_hbm, idx_hbm, lg_v, rt_v, ix_v):
    wid = lax.axis_index("s") * 2 + lax.axis_index("c")
    base = wid * _CHUNK
    pltpu.sync_copy(logits_hbm.at[pl.ds(base * _NE, _CHUNK * _NE)], lg_v)

    lanes = lax.iota(jnp.int32, _L)

    def _group(g, carry):
        rows8 = (g * _L + lanes) * _NE
        best = plsc.load_gather(lg_v, [rows8])
        bidx = jnp.zeros((_L,), jnp.int32)
        for e in range(1, _NE):
            v = plsc.load_gather(lg_v, [rows8 + e])
            m = v > best
            best = jnp.where(m, v, best)
            bidx = jnp.where(m, e, bidx)
        ix_v[pl.ds(g * _L, _L)] = bidx
        for e in range(_NE):
            plsc.store_scatter(
                rt_v,
                [rows8 + e],
                jnp.where(bidx == e, 1.0, 0.0).astype(jnp.float32),
            )
        return carry

    lax.fori_loop(0, _GROUPS, _group, 0)

    pltpu.sync_copy(rt_v, router_hbm.at[pl.ds(base * _NE, _CHUNK * _NE)])
    pltpu.sync_copy(ix_v, idx_hbm.at[pl.ds(base, _CHUNK)])


def kernel(x, W, b):
    b2 = b.reshape(1, _NE)
    logits = _tc_logits(x, W, b2)
    router_flat, idx = _sc_route(logits.reshape(_TOKENS * _NE))
    return (router_flat.reshape(_TOKENS, _NE), idx.reshape(_TOKENS, 1))

# --- scband reference (transcript-rebuilt; emitter-appended) ---
"""Pipeline reference for scband-noisy-topk-router-29506425324173 (READ-ONLY COPY).

The authoritative reference and input builder live on the scoring server;
editing this copy changes nothing except your own understanding.
"""

import jax, jax.numpy as jnp
import numpy as np

DIM = 768
NUM_EXPERTS = 8
TOP_K = 1
TOKENS = 32768


def setup_inputs(seed: int = 0) -> dict:
    key = jax.random.key(seed)
    k1, k2, k3 = jax.random.split(key, 3)
    x = jax.random.normal(k1, (TOKENS, DIM), dtype=jnp.float32)
    # nn.Linear(dim, num_experts): weight [E, dim], bias [E]; we store W as [dim, E]
    W = jax.random.normal(k2, (DIM, NUM_EXPERTS), dtype=jnp.float32) * (1.0 / np.sqrt(DIM))
    b = jax.random.uniform(k3, (NUM_EXPERTS,), dtype=jnp.float32, minval=-1.0 / np.sqrt(DIM), maxval=1.0 / np.sqrt(DIM))
    return {"x": x, "W": W, "b": b}


def reference(x, W, b):
    # logits = self.topkroute_linear(x)  (noisy=False branch)
    logits = x @ W + b
    # top_k_logits, indices = logits.topk(self.top_k, dim=-1)
    top_k_logits, indices = jax.lax.top_k(logits, TOP_K)
    # zeros = full_like(logits, -inf); sparse_logits = zeros.scatter(-1, indices, top_k_logits)
    rows = jnp.arange(logits.shape[0])[:, None]
    sparse_logits = jnp.full_like(logits, -jnp.inf).at[rows, indices].set(top_k_logits)
    # router_output = softmax(sparse_logits, dim=-1)
    router_output = jax.nn.softmax(sparse_logits, axis=-1)
    return (router_output, indices)

if __name__ == "__main__":
    import jax
    _d = setup_inputs()
    print(jax.jit(kernel)(*tuple(_d.values())))

</pallas_src>

<mosaic_0001>
#map = affine_map<(d0, d1) -> (0)>
module attributes {stable_mosaic.version = 14 : i64} {
  func.func @_sc_route(%arg0: i32, %arg1: i32, %arg2: memref<262144xf32, #tpu.memory_space<hbm>>, %arg3: memref<262144xf32, #tpu.memory_space<hbm>>, %arg4: memref<32768xi32, #tpu.memory_space<hbm>>, %arg5: memref<8192xf32, #tpu.memory_space<vmem>>, %arg6: memref<8192xf32, #tpu.memory_space<vmem>>, %arg7: memref<1024xi32, #tpu.memory_space<vmem>>) attributes {dimension_semantics = [#tpu.dimension_semantics<core_parallel>, #tpu.dimension_semantics<subcore_parallel>], iteration_bounds = array<i64: 2, 16>, scalar_prefetch = 0 : i64, scratch_operands = 3 : i64, tpu.core_type = #tpu.core_type<sc_vector_subcore>, window_params = [{transform_indices = #map}, {transform_indices = #map}, {transform_indices = #map}]} {
    %mul3A = arith.constant 2 : i32
    %mul3A_0 = arith.muli %arg1, %mul3A : i32
    %add3A = arith.addi %mul3A_0, %arg0 : i32
    %mul3A_1 = arith.constant 1024 : i32
    %mul3A_2 = arith.muli %add3A, %mul3A_1 : i32
    %mul3A_3 = arith.constant 8 : i32
    %mul3A_4 = arith.muli %mul3A_2, %mul3A_3 : i32
    "tpu.region"() ({
      %run_scoped3A = tpu.sem_alloc : memref<!tpu.dma_semaphore, #tpu.memory_space<semaphore_mem>>
      %dma_start3A = tpu.memref_slice %arg2[%mul3A_4] : memref<262144xf32, #tpu.memory_space<hbm>> -> memref<8192xf32, #tpu.memory_space<hbm>>
      %dma_start3A_12 = tpu.memref_slice %arg2[%mul3A_4] : memref<262144xf32, #tpu.memory_space<hbm>> -> memref<8192xf32, #tpu.memory_space<hbm>>
      tpu.enqueue_dma source(%dma_start3A_12 : memref<8192xf32, #tpu.memory_space<hbm>>) target(%arg5 : memref<8192xf32, #tpu.memory_space<vmem>>) target_semaphore(%run_scoped3A : memref<!tpu.dma_semaphore, #tpu.memory_space<semaphore_mem>>)
      %dma_wait3A = tpu.memref_slice %arg2[%mul3A_4] : memref<262144xf32, #tpu.memory_space<hbm>> -> memref<8192xf32, #tpu.memory_space<hbm>>
      %dma_wait3A_13 = tpu.memref_slice %arg2[%mul3A_4] : memref<262144xf32, #tpu.memory_space<hbm>> -> memref<8192xf32, #tpu.memory_space<hbm>>
      tpu.wait_dma2 semaphore(%run_scoped3A : memref<!tpu.dma_semaphore, #tpu.memory_space<semaphore_mem>>) src(%dma_wait3A_13 : memref<8192xf32, #tpu.memory_space<hbm>>) dst(%arg5 : memref<8192xf32, #tpu.memory_space<vmem>>)
      tpu.yield
    }) : () -> ()
    %iota3A = tpu.iota {dimensions = array<i32: 0>} : vector<16xi32>
    %scan3A = arith.constant 0 : i32
    %scan3A_5 = arith.constant 0 : i32
    %scan3A_6 = arith.constant 64 : i32
    %scan3A_7 = arith.addi %scan3A_5, %scan3A_6 : i32
    %scan3A_8 = arith.constant 1 : i32
    scf.for %scan3A_12 = %scan3A_5 to %scan3A_7 step %scan3A_8  : i32 {
      %mul3A_13 = arith.constant 16 : i32
      %mul3A_14 = arith.muli %scan3A_12, %mul3A_13 : i32
      %add3A_15 = vector.broadcast %mul3A_14 : i32 to vector<16xi32>
      %add3A_16 = arith.addi %add3A_15, %iota3A : vector<16xi32>
      %mul3A_17 = arith.constant 8 : i32
      %mul3A_18 = vector.broadcast %mul3A_17 : i32 to vector<16xi32>
      %mul3A_19 = arith.muli %add3A_16, %mul3A_18 : vector<16xi32>
      %gather3A = tpu.vector_load_idx %arg5[%mul3A_19] : memref<8192xf32, #tpu.memory_space<vmem>>[vector<16xi32>], vector<16xf32>,
      %broadcast_in_dim3A = arith.constant 0 : i32
      %broadcast_in_dim3A_20 = vector.broadcast %broadcast_in_dim3A : i32 to vector<16xi32>
      %add3A_21 = arith.constant 1 : i32
      %add3A_22 = vector.broadcast %add3A_21 : i32 to vector<16xi32>
      %add3A_23 = arith.addi %mul3A_19, %add3A_22 : vector<16xi32>
      %gather3A_24 = tpu.vector_load_idx %arg5[%add3A_23] : memref<8192xf32, #tpu.memory_space<vmem>>[vector<16xi32>], vector<16xf32>,
      %gt3A = arith.cmpf ogt, %gather3A_24, %gather3A : vector<16xf32>
      %select_n3A = arith.select %gt3A, %gather3A_24, %gather3A : vector<16xi1>, vector<16xf32>
      %jit3A = arith.constant 1 : i32
      %broadcast_in_dim3A_25 = vector.broadcast %jit3A : i32 to vector<16xi32>
      %select_n3A_26 = arith.select %gt3A, %broadcast_in_dim3A_25, %broadcast_in_dim3A_20 : vector<16xi1>, vector<16xi32>
      %add3A_27 = arith.constant 2 : i32
      %add3A_28 = vector.broadcast %add3A_27 : i32 to vector<16xi32>
      %add3A_29 = arith.addi %mul3A_19, %add3A_28 : vector<16xi32>
      %gather3A_30 = tpu.vector_load_idx %arg5[%add3A_29] : memref<8192xf32, #tpu.memory_space<vmem>>[vector<16xi32>], vector<16xf32>,
      %gt3A_31 = arith.cmpf ogt, %gather3A_30, %select_n3A : vector<16xf32>
      %select_n3A_32 = arith.select %gt3A_31, %gather3A_30, %select_n3A : vector<16xi1>, vector<16xf32>
      %jit3A_33 = arith.constant 2 : i32
      %broadcast_in_dim3A_34 = vector.broadcast %jit3A_33 : i32 to vector<16xi32>
      %select_n3A_35 = arith.select %gt3A_31, %broadcast_in_dim3A_34, %select_n3A_26 : vector<16xi1>, vector<16xi32>
      %add3A_36 = arith.constant 3 : i32
      %add3A_37 = vector.broadcast %add3A_36 : i32 to vector<16xi32>
      %add3A_38 = arith.addi %mul3A_19, %add3A_37 : vector<16xi32>
      %gather3A_39 = tpu.vector_load_idx %arg5[%add3A_38] : memref<8192xf32, #tpu.memory_space<vmem>>[vector<16xi32>], vector<16xf32>,
      %gt3A_40 = arith.cmpf ogt, %gather3A_39, %select_n3A_32 : vector<16xf32>
      %select_n3A_41 = arith.select %gt3A_40, %gather3A_39, %select_n3A_32 : vector<16xi1>, vector<16xf32>
      %jit3A_42 = arith.constant 3 : i32
      %broadcast_in_dim3A_43 = vector.broadcast %jit3A_42 : i32 to vector<16xi32>
      %select_n3A_44 = arith.select %gt3A_40, %broadcast_in_dim3A_43, %select_n3A_35 : vector<16xi1>, vector<16xi32>
      %add3A_45 = arith.constant 4 : i32
      %add3A_46 = vector.broadcast %add3A_45 : i32 to vector<16xi32>
      %add3A_47 = arith.addi %mul3A_19, %add3A_46 : vector<16xi32>
      %gather3A_48 = tpu.vector_load_idx %arg5[%add3A_47] : memref<8192xf32, #tpu.memory_space<vmem>>[vector<16xi32>], vector<16xf32>,
      %gt3A_49 = arith.cmpf ogt, %gather3A_48, %select_n3A_41 : vector<16xf32>
      %select_n3A_50 = arith.select %gt3A_49, %gather3A_48, %select_n3A_41 : vector<16xi1>, vector<16xf32>
      %jit3A_51 = arith.constant 4 : i32
      %broadcast_in_dim3A_52 = vector.broadcast %jit3A_51 : i32 to vector<16xi32>
      %select_n3A_53 = arith.select %gt3A_49, %broadcast_in_dim3A_52, %select_n3A_44 : vector<16xi1>, vector<16xi32>
      %add3A_54 = arith.constant 5 : i32
      %add3A_55 = vector.broadcast %add3A_54 : i32 to vector<16xi32>
      %add3A_56 = arith.addi %mul3A_19, %add3A_55 : vector<16xi32>
      %gather3A_57 = tpu.vector_load_idx %arg5[%add3A_56] : memref<8192xf32, #tpu.memory_space<vmem>>[vector<16xi32>], vector<16xf32>,
      %gt3A_58 = arith.cmpf ogt, %gather3A_57, %select_n3A_50 : vector<16xf32>
      %select_n3A_59 = arith.select %gt3A_58, %gather3A_57, %select_n3A_50 : vector<16xi1>, vector<16xf32>
      %jit3A_60 = arith.constant 5 : i32
      %broadcast_in_dim3A_61 = vector.broadcast %jit3A_60 : i32 to vector<16xi32>
      %select_n3A_62 = arith.select %gt3A_58, %broadcast_in_dim3A_61, %select_n3A_53 : vector<16xi1>, vector<16xi32>
      %add3A_63 = arith.constant 6 : i32
      %add3A_64 = vector.broadcast %add3A_63 : i32 to vector<16xi32>
      %add3A_65 = arith.addi %mul3A_19, %add3A_64 : vector<16xi32>
      %gather3A_66 = tpu.vector_load_idx %arg5[%add3A_65] : memref<8192xf32, #tpu.memory_space<vmem>>[vector<16xi32>], vector<16xf32>,
      %gt3A_67 = arith.cmpf ogt, %gather3A_66, %select_n3A_59 : vector<16xf32>
      %select_n3A_68 = arith.select %gt3A_67, %gather3A_66, %select_n3A_59 : vector<16xi1>, vector<16xf32>
      %jit3A_69 = arith.constant 6 : i32
      %broadcast_in_dim3A_70 = vector.broadcast %jit3A_69 : i32 to vector<16xi32>
      %select_n3A_71 = arith.select %gt3A_67, %broadcast_in_dim3A_70, %select_n3A_62 : vector<16xi1>, vector<16xi32>
      %add3A_72 = arith.constant 7 : i32
      %add3A_73 = vector.broadcast %add3A_72 : i32 to vector<16xi32>
      %add3A_74 = arith.addi %mul3A_19, %add3A_73 : vector<16xi32>
      %gather3A_75 = tpu.vector_load_idx %arg5[%add3A_74] : memref<8192xf32, #tpu.memory_space<vmem>>[vector<16xi32>], vector<16xf32>,
      %gt3A_76 = arith.cmpf ogt, %gather3A_75, %select_n3A_68 : vector<16xf32>
      %select_n3A_77 = arith.select %gt3A_76, %gather3A_75, %select_n3A_68 : vector<16xi1>, vector<16xf32>
      %jit3A_78 = arith.constant 7 : i32
      %broadcast_in_dim3A_79 = vector.broadcast %jit3A_78 : i32 to vector<16xi32>
      %select_n3A_80 = arith.select %gt3A_76, %broadcast_in_dim3A_79, %select_n3A_71 : vector<16xi1>, vector<16xi32>
      %mul3A_81 = arith.constant 16 : i32
      %mul3A_82 = arith.muli %scan3A_12, %mul3A_81 : i32
      %swap3A = arith.index_cast %mul3A_82 : i32 to index
      %swap3A_83 = tpu.vector_load %arg7[%swap3A] {strides = array<i32>} : memref<1024xi32, #tpu.memory_space<vmem>>, vector<16xi32>,
      tpu.vector_store %arg7[%swap3A], %select_n3A_80 {strides = array<i32>} : memref<1024xi32, #tpu.memory_space<vmem>>, vector<16xi32>,
      %add3A_84 = arith.constant 0 : i32
      %add3A_85 = vector.broadcast %add3A_84 : i32 to vector<16xi32>
      %add3A_86 = arith.addi %mul3A_19, %add3A_85 : vector<16xi32>
      %eq3A = arith.constant 0 : i32
      %eq3A_87 = vector.broadcast %eq3A : i32 to vector<16xi32>
      %eq3A_88 = arith.cmpi eq, %select_n3A_80, %eq3A_87 : vector<16xi32>
      %jit3A_89 = arith.constant 1.000000e+00 : f32
      %jit3A_90 = arith.constant 0.000000e+00 : f32
      %broadcast_in_dim3A_91 = vector.broadcast %jit3A_89 : f32 to vector<16xf32>
      %broadcast_in_dim3A_92 = vector.broadcast %jit3A_90 : f32 to vector<16xf32>
      %select_n3A_93 = arith.select %eq3A_88, %broadcast_in_dim3A_91, %broadcast_in_dim3A_92 : vector<16xi1>, vector<16xf32>
      tpu.vector_store_idx %arg6[%add3A_86], %select_n3A_93 : memref<8192xf32, #tpu.memory_space<vmem>>[vector<16xi32>], vector<16xf32>,
      %add3A_94 = arith.constant 1 : i32
      %add3A_95 = vector.broadcast %add3A_94 : i32 to vector<16xi32>
      %add3A_96 = arith.addi %mul3A_19, %add3A_95 : vector<16xi32>
      %eq3A_97 = arith.constant 1 : i32
      %eq3A_98 = vector.broadcast %eq3A_97 : i32 to vector<16xi32>
      %eq3A_99 = arith.cmpi eq, %select_n3A_80, %eq3A_98 : vector<16xi32>
      %jit3A_100 = arith.constant 1.000000e+00 : f32
      %jit3A_101 = arith.constant 0.000000e+00 : f32
      %broadcast_in_dim3A_102 = vector.broadcast %jit3A_100 : f32 to vector<16xf32>
      %broadcast_in_dim3A_103 = vector.broadcast %jit3A_101 : f32 to vector<16xf32>
      %select_n3A_104 = arith.select %eq3A_99, %broadcast_in_dim3A_102, %broadcast_in_dim3A_103 : vector<16xi1>, vector<16xf32>
      tpu.vector_store_idx %arg6[%add3A_96], %select_n3A_104 : memref<8192xf32, #tpu.memory_space<vmem>>[vector<16xi32>], vector<16xf32>,
      %add3A_105 = arith.constant 2 : i32
      %add3A_106 = vector.broadcast %add3A_105 : i32 to vector<16xi32>
      %add3A_107 = arith.addi %mul3A_19, %add3A_106 : vector<16xi32>
      %eq3A_108 = arith.constant 2 : i32
      %eq3A_109 = vector.broadcast %eq3A_108 : i32 to vector<16xi32>
      %eq3A_110 = arith.cmpi eq, %select_n3A_80, %eq3A_109 : vector<16xi32>
      %jit3A_111 = arith.constant 1.000000e+00 : f32
      %jit3A_112 = arith.constant 0.000000e+00 : f32
      %broadcast_in_dim3A_113 = vector.broadcast %jit3A_111 : f32 to vector<16xf32>
      %broadcast_in_dim3A_114 = vector.broadcast %jit3A_112 : f32 to vector<16xf32>
      %select_n3A_115 = arith.select %eq3A_110, %broadcast_in_dim3A_113, %broadcast_in_dim3A_114 : vector<16xi1>, vector<16xf32>
      tpu.vector_store_idx %arg6[%add3A_107], %select_n3A_115 : memref<8192xf32, #tpu.memory_space<vmem>>[vector<16xi32>], vector<16xf32>,
      %add3A_116 = arith.constant 3 : i32
      %add3A_117 = vector.broadcast %add3A_116 : i32 to vector<16xi32>
      %add3A_118 = arith.addi %mul3A_19, %add3A_117 : vector<16xi32>
      %eq3A_119 = arith.constant 3 : i32
      %eq3A_120 = vector.broadcast %eq3A_119 : i32 to vector<16xi32>
      %eq3A_121 = arith.cmpi eq, %select_n3A_80, %eq3A_120 : vector<16xi32>
      %jit3A_122 = arith.constant 1.000000e+00 : f32
      %jit3A_123 = arith.constant 0.000000e+00 : f32
      %broadcast_in_dim3A_124 = vector.broadcast %jit3A_122 : f32 to vector<16xf32>
      %broadcast_in_dim3A_125 = vector.broadcast %jit3A_123 : f32 to vector<16xf32>
      %select_n3A_126 = arith.select %eq3A_121, %broadcast_in_dim3A_124, %broadcast_in_dim3A_125 : vector<16xi1>, vector<16xf32>
      tpu.vector_store_idx %arg6[%add3A_118], %select_n3A_126 : memref<8192xf32, #tpu.memory_space<vmem>>[vector<16xi32>], vector<16xf32>,
      %add3A_127 = arith.constant 4 : i32
      %add3A_128 = vector.broadcast %add3A_127 : i32 to vector<16xi32>
      %add3A_129 = arith.addi %mul3A_19, %add3A_128 : vector<16xi32>
      %eq3A_130 = arith.constant 4 : i32
      %eq3A_131 = vector.broadcast %eq3A_130 : i32 to vector<16xi32>
      %eq3A_132 = arith.cmpi eq, %select_n3A_80, %eq3A_131 : vector<16xi32>
      %jit3A_133 = arith.constant 1.000000e+00 : f32
      %jit3A_134 = arith.constant 0.000000e+00 : f32
      %broadcast_in_dim3A_135 = vector.broadcast %jit3A_133 : f32 to vector<16xf32>
      %broadcast_in_dim3A_136 = vector.broadcast %jit3A_134 : f32 to vector<16xf32>
      %select_n3A_137 = arith.select %eq3A_132, %broadcast_in_dim3A_135, %broadcast_in_dim3A_136 : vector<16xi1>, vector<16xf32>
      tpu.vector_store_idx %arg6[%add3A_129], %select_n3A_137 : memref<8192xf32, #tpu.memory_space<vmem>>[vector<16xi32>], vector<16xf32>,
      %add3A_138 = arith.constant 5 : i32
      %add3A_139 = vector.broadcast %add3A_138 : i32 to vector<16xi32>
      %add3A_140 = arith.addi %mul3A_19, %add3A_139 : vector<16xi32>
      %eq3A_141 = arith.constant 5 : i32
      %eq3A_142 = vector.broadcast %eq3A_141 : i32 to vector<16xi32>
      %eq3A_143 = arith.cmpi eq, %select_n3A_80, %eq3A_142 : vector<16xi32>
      %jit3A_144 = arith.constant 1.000000e+00 : f32
      %jit3A_145 = arith.constant 0.000000e+00 : f32
      %broadcast_in_dim3A_146 = vector.broadcast %jit3A_144 : f32 to vector<16xf32>
      %broadcast_in_dim3A_147 = vector.broadcast %jit3A_145 : f32 to vector<16xf32>
      %select_n3A_148 = arith.select %eq3A_143, %broadcast_in_dim3A_146, %broadcast_in_dim3A_147 : vector<16xi1>, vector<16xf32>
      tpu.vector_store_idx %arg6[%add3A_140], %select_n3A_148 : memref<8192xf32, #tpu.memory_space<vmem>>[vector<16xi32>], vector<16xf32>,
      %add3A_149 = arith.constant 6 : i32
      %add3A_150 = vector.broadcast %add3A_149 : i32 to vector<16xi32>
      %add3A_151 = arith.addi %mul3A_19, %add3A_150 : vector<16xi32>
      %eq3A_152 = arith.constant 6 : i32
      %eq3A_153 = vector.broadcast %eq3A_152 : i32 to vector<16xi32>
      %eq3A_154 = arith.cmpi eq, %select_n3A_80, %eq3A_153 : vector<16xi32>
      %jit3A_155 = arith.constant 1.000000e+00 : f32
      %jit3A_156 = arith.constant 0.000000e+00 : f32
      %broadcast_in_dim3A_157 = vector.broadcast %jit3A_155 : f32 to vector<16xf32>
      %broadcast_in_dim3A_158 = vector.broadcast %jit3A_156 : f32 to vector<16xf32>
      %select_n3A_159 = arith.select %eq3A_154, %broadcast_in_dim3A_157, %broadcast_in_dim3A_158 : vector<16xi1>, vector<16xf32>
      tpu.vector_store_idx %arg6[%add3A_151], %select_n3A_159 : memref<8192xf32, #tpu.memory_space<vmem>>[vector<16xi32>], vector<16xf32>,
      %add3A_160 = arith.constant 7 : i32
      %add3A_161 = vector.broadcast %add3A_160 : i32 to vector<16xi32>
      %add3A_162 = arith.addi %mul3A_19, %add3A_161 : vector<16xi32>
      %eq3A_163 = arith.constant 7 : i32
      %eq3A_164 = vector.broadcast %eq3A_163 : i32 to vector<16xi32>
      %eq3A_165 = arith.cmpi eq, %select_n3A_80, %eq3A_164 : vector<16xi32>
      %jit3A_166 = arith.constant 1.000000e+00 : f32
      %jit3A_167 = arith.constant 0.000000e+00 : f32
      %broadcast_in_dim3A_168 = vector.broadcast %jit3A_166 : f32 to vector<16xf32>
      %broadcast_in_dim3A_169 = vector.broadcast %jit3A_167 : f32 to vector<16xf32>
      %select_n3A_170 = arith.select %eq3A_165, %broadcast_in_dim3A_168, %broadcast_in_dim3A_169 : vector<16xi1>, vector<16xf32>
      tpu.vector_store_idx %arg6[%add3A_162], %select_n3A_170 : memref<8192xf32, #tpu.memory_space<vmem>>[vector<16xi32>], vector<16xf32>,
    }
    %scan3A_9 = arith.constant 64 : i32
    %mul3A_10 = arith.constant 8 : i32
    %mul3A_11 = arith.muli %mul3A_2, %mul3A_10 : i32
    "tpu.region"() ({
      %run_scoped3A = tpu.sem_alloc : memref<!tpu.dma_semaphore, #tpu.memory_space<semaphore_mem>>
      %dma_start3A = tpu.memref_slice %arg3[%mul3A_11] : memref<262144xf32, #tpu.memory_space<hbm>> -> memref<8192xf32, #tpu.memory_space<hbm>>
      %dma_start3A_12 = tpu.memref_slice %arg3[%mul3A_11] : memref<262144xf32, #tpu.memory_space<hbm>> -> memref<8192xf32, #tpu.memory_space<hbm>>
      tpu.enqueue_dma source(%arg6 : memref<8192xf32, #tpu.memory_space<vmem>>) target(%dma_start3A_12 : memref<8192xf32, #tpu.memory_space<hbm>>) target_semaphore(%run_scoped3A : memref<!tpu.dma_semaphore, #tpu.memory_space<semaphore_mem>>)
      %dma_wait3A = tpu.memref_slice %arg3[%mul3A_11] : memref<262144xf32, #tpu.memory_space<hbm>> -> memref<8192xf32, #tpu.memory_space<hbm>>
      %dma_wait3A_13 = tpu.memref_slice %arg3[%mul3A_11] : memref<262144xf32, #tpu.memory_space<hbm>> -> memref<8192xf32, #tpu.memory_space<hbm>>
      tpu.wait_dma2 semaphore(%run_scoped3A : memref<!tpu.dma_semaphore, #tpu.memory_space<semaphore_mem>>) src(%arg6 : memref<8192xf32, #tpu.memory_space<vmem>>) dst(%dma_wait3A_13 : memref<8192xf32, #tpu.memory_space<hbm>>)
      tpu.yield
    }) : () -> ()
    "tpu.region"() ({
      %run_scoped3A = tpu.sem_alloc : memref<!tpu.dma_semaphore, #tpu.memory_space<semaphore_mem>>
      %dma_start3A = tpu.memref_slice %arg4[%mul3A_2] : memref<32768xi32, #tpu.memory_space<hbm>> -> memref<1024xi32, #tpu.memory_space<hbm>>
      %dma_start3A_12 = tpu.memref_slice %arg4[%mul3A_2] : memref<32768xi32, #tpu.memory_space<hbm>> -> memref<1024xi32, #tpu.memory_space<hbm>>
      tpu.enqueue_dma source(%arg7 : memref<1024xi32, #tpu.memory_space<vmem>>) target(%dma_start3A_12 : memref<1024xi32, #tpu.memory_space<hbm>>) target_semaphore(%run_scoped3A : memref<!tpu.dma_semaphore, #tpu.memory_space<semaphore_mem>>)
      %dma_wait3A = tpu.memref_slice %arg4[%mul3A_2] : memref<32768xi32, #tpu.memory_space<hbm>> -> memref<1024xi32, #tpu.memory_space<hbm>>
      %dma_wait3A_13 = tpu.memref_slice %arg4[%mul3A_2] : memref<32768xi32, #tpu.memory_space<hbm>> -> memref<1024xi32, #tpu.memory_space<hbm>>
      tpu.wait_dma2 semaphore(%run_scoped3A : memref<!tpu.dma_semaphore, #tpu.memory_space<semaphore_mem>>) src(%arg7 : memref<1024xi32, #tpu.memory_space<vmem>>) dst(%dma_wait3A_13 : memref<1024xi32, #tpu.memory_space<hbm>>)
      tpu.yield
    }) : () -> ()
    return
  }
}

module attributes {stable_mosaic.version = 14 : i64} {
  func.func @_logits_body(%arg0: i32, %arg1: memref<4096x768xf32, #tpu.memory_space<vmem>>, %arg2: memref<768x8xf32, #tpu.memory_space<vmem>>, %arg3: memref<1x8xf32, #tpu.memory_space<vmem>>, %arg4: memref<4096x8xf32, #tpu.memory_space<vmem>>) attributes {dimension_semantics = [#tpu.dimension_semantics<arbitrary>], iteration_bounds = array<i64: 8>, scalar_prefetch = 0 : i64, scratch_operands = 0 : i64, tpu.core_type = #tpu.core_type<tc>, window_params = [{transform_indices = @transform_0, window_bounds = array<i64: 4096, 768>}, {pipeline_mode = #tpu.pipeline_mode<synchronous>, transform_indices = @transform_1, window_bounds = array<i64: 768, 8>}, {pipeline_mode = #tpu.pipeline_mode<synchronous>, transform_indices = @transform_2, window_bounds = array<i64: 1, 8>}, {transform_indices = @transform_3, window_bounds = array<i64: 4096, 8>}]} {
    %get3A = arith.constant 0 : index
    %get3A_0 = arith.constant 0 : index
    %get3A_1 = vector.load %arg1[%get3A, %get3A_0] : memref<4096x768xf32, #tpu.memory_space<vmem>>, vector<4096x768xf32>
    %get3A_2 = arith.constant 0 : index
    %get3A_3 = arith.constant 0 : index
    %get3A_4 = vector.load %arg2[%get3A_2, %get3A_3] : memref<768x8xf32, #tpu.memory_space<vmem>>, vector<768x8xf32>
    %dot_general3A = arith.constant dense<0.000000e+00> : vector<4096x8xf32>
    %dot_general3A_5 = tpu.matmul %get3A_1, %get3A_4, %dot_general3A {dimension_numbers = #tpu.dot_dimension_numbers<[1], [0], [0], [1], [0, 0, 1, 1], [], []>, transpose_lhs_hint = false} : vector<4096x768xf32>, vector<768x8xf32>, vector<4096x8xf32> -> vector<4096x8xf32>
    %get3A_6 = arith.constant 0 : index
    %get3A_7 = arith.constant 0 : index
    %get3A_8 = vector.load %arg3[%get3A_6, %get3A_7] : memref<1x8xf32, #tpu.memory_space<vmem>>, vector<1x8xf32>
    %add3A = vector.broadcast %get3A_8 : vector<1x8xf32> to vector<4096x8xf32>
    %add3A_9 = arith.addf %dot_general3A_5, %add3A : vector<4096x8xf32>
    %swap3A = arith.constant 0 : index
    %swap3A_10 = arith.constant 0 : index
    %swap3A_11 = vector.load %arg4[%swap3A, %swap3A_10] : memref<4096x8xf32, #tpu.memory_space<vmem>>, vector<4096x8xf32>
    tpu.vector_store %arg4[%swap3A, %swap3A_10], %add3A_9 {strides = array<i32>} : memref<4096x8xf32, #tpu.memory_space<vmem>>, vector<4096x8xf32>,
    return
  }
  func.func @transform_0(%arg0: i32) -> (i32, i32) {
    %c0_i32 = arith.constant 0 : i32
    %c0_i32_0 = arith.constant 0 : i32
    return %arg0, %c0_i32 : i32, i32
  }
  func.func @transform_1(%arg0: i32) -> (i32, i32) {
    %c0_i32 = arith.constant 0 : i32
    %c0_i32_0 = arith.constant 0 : i32
    %c0_i32_1 = arith.constant 0 : i32
    return %c0_i32, %c0_i32_0 : i32, i32
  }
  func.func @transform_2(%arg0: i32) -> (i32, i32) {
    %c0_i32 = arith.constant 0 : i32
    %c0_i32_0 = arith.constant 0 : i32
    %c0_i32_1 = arith.constant 0 : i32
    return %c0_i32, %c0_i32_0 : i32, i32
  }
  func.func @transform_3(%arg0: i32) -> (i32, i32) {
    %c0_i32 = arith.constant 0 : i32
    %c0_i32_0 = arith.constant 0 : i32
    return %arg0, %c0_i32 : i32, i32
  }
}

</mosaic_0001>

<sc_bundles>
// kernel: kernel.4.cloned.1.call-start
scs
__scs_entry_jumppad:
0x0: {  	(pc) =	sbr.rel $0x88, $3  }
0x1: {  	(tag) =	ssettag $0x0;
	lr =	simm.s32 $0x1  }
0x2: {  	[smem:$0x3F9E] =	sst lr;
	_ =	strace $0xD0000000  }
0x3: {  	_ = 	snop  }
0x4: {  	_ = 	snop  }
0x5: {  	_ = 	snop  }
0x6: {  	_ = 	snop  }
0x7: {  	_ = 	snop  }
__scs_overlays_trampoline_lowered:
0x8: {  	[smem:$0x3FAD] =	sst s0  }
0x9: {  	[smem:$0x3FAE] =	sst s1  }
0xa: {  	[smem:$0x3FAF] =	sst s2  }
0xb: {  	[smem:$0x3FB0] =	sst s3  }
0xc: {  	[smem:$0x3FB1] =	sst s4  }
0xd: {  	[smem:$0x3FB2] =	sst s5  }
0xe: {  	[smem:$0x3FB3] =	sst s6  }
0xf: {  	[smem:$0x3FB4] =	sst s7  }
0x10: {  	[smem:$0x3FB5] =	sst s8  }
0x11: {  	[smem:$0x3FB6] =	sst s9;
	s0 =	simm.s32 @!p0 $0x0  }
0x12: {  	s1 =	sld [smem:$0x3F9C];
	s0 =	simm.s32 @p0 $0x1  }
0x13: {  	[smem:$0x3FB7] =	sst s0;
	s0 =	simm.s32 @!p1 $0x0  }
0x14: {  	s2 =	sld [smem:$0x3F9B];
	s0 =	simm.s32 @p1 $0x1  }
0x15: {  	[smem:$0x3FB8] =	sst s0;
	s0 =	simm.s32 @!p2 $0x0  }
0x16: {  	s3 =	sld [smem:$0x3FDB];
	s0 =	simm.s32 @p2 $0x1  }
0x17: {  	s4 =	simm.s32 $0x1BF5;
	[smem:$0x3FBA] =	sst s0  }
0x18: {  	s0 =	sld [smem:$0x3F9D];
	_ =	swait.ge [sflag:s4], $0x0  }
0x19: {  	s7 =	sld [smem:$0x3F9E]  }
0x1a: {  	s8 =	sadd.s32 $0xFFFFE003, lr  }
0x1b: {  	s9 =	sadd.s32 $0xFFFFFEF7, lr;
	s5 =	simm.s32 $0xFFFFFFFF;
	p2 =	slt.u32 s8, $0xFFFFF086  }
0x1c: {  	p1 =	slt.u32 s9, $0xF7A;
	s5 =	simm.s32 @!p2 $0x0  }
0x1d: {  	s5 =	simm.s32 @p1 $0x1;
	p0 =	seq.s32 s7, s2  }
0x1e: {  	s7 =	smul.u32 @!p0 $0xF7A, s2;
	p2 =	seq.s32 @!p0 s5, $0x0  }
0x1f: {  	s9 =	smul.u32 $0xF7A, s1;
	s8 =	simm.s32 @!p0 $0x1BF5;
	p2 =	por !p2, p0  }
0x20: {  	[sflag:s8] =	ssyncset.s32 @!p0 $0xFFFFF086;
	s6 =	sadd.s32 @!p0 s3, s7;
	s7 =	simm.s32 @!p0 $0x108  }
0x21: {  	s3 =	sadd.s32 s3, s9;
	s6 =	sadd.s32 @!p0 $0x88, s6;
	s7 =	simm.s32 @p2 $0x1082  }
0x22: {  	[simem:s7], [sflag:s8] =	dma.local @!p0 [hbm:s6], $0xF7A  }
0x23: {  	s9 =	sor.u32 $0xD0000000, s2;
	s6 =	simm.s32 $0x108;
	_ =	swait.ge @!p0 [sflag:s8], $0x0  }
0x24: {  	s3 =	sadd.s32 $0x88, s3;
	s6 =	simm.s32 @!p1 $0x1082;
	[sflag:s4] =	ssyncset.s32 $0xFFFFF086  }
0x25: {  	[simem:s6], [sflag:s4] =	dma.local [hbm:s3], $0xF7A  }
0x26: {  	[smem:$0x3F9E] =	sst s1;
	(tag) =	ssettag s2;
	_ =	strace s9  }
0x27: {  	s1 =	sld [smem:$0x3FAE]  }
0x28: {  	s2 =	sld [smem:$0x3FAF]  }
0x29: {  	s4 =	sld [smem:$0x3FB1]  }
0x2a: {  	p0 =	seq.s32 s5, $0x0;
	s5 =	sld [smem:$0x3FB2]  }
0x2b: {  	s6 =	sld [smem:$0x3FB3]  }
0x2c: {  	s7 =	sld [smem:$0x3FB4]  }
0x2d: {  	s3 =	simm.s32 $0x108;
	s8 =	sld [smem:$0x3FB5]  }
0x2e: {  	s3 =	simm.s32 @!p0 $0x1082;
	s9 =	sld [smem:$0x3FB6]  }
0x2f: {  	lr =	sadd.s32 s0, s3;
	s0 =	sld [smem:$0x3FAD]  }
0x30: {  	s3 =	sld [smem:$0x3FB0]  }
0x31: {  	[smem:$0x3FB9] =	sst s10  }
0x32: {  	s10 =	sld [smem:$0x3FB7];
	_ =	sdelay $0x3  }
0x33: {  	p0 =	seq.s32 s10, $0x1;
	s10 =	sld [smem:$0x3FB9];
	_ =	sdelay $0x3  }
0x34: {  	[smem:$0x3FB9] =	sst s10  }
0x35: {  	s10 =	sld [smem:$0x3FB8];
	_ =	sdelay $0x3  }
0x36: {  	p1 =	seq.s32 s10, $0x1;
	s10 =	sld [smem:$0x3FB9];
	_ =	sdelay $0x3  }
0x37: {  	[smem:$0x3FB9] =	sst s10  }
0x38: {  	s10 =	sld [smem:$0x3FBA]  }
0x39: {  	_ = 	snop;
	(pc) =	sbr.ind lr, $3  }
0x3a: {  	_ = 	snop  }
0x3b: {  	_ = 	snop  }
0x3c: {  	p2 =	seq.s32 s10, $0x1;
	s10 =	sld [smem:$0x3FB9]  }
0x3d: {  	_ =	shalt  }
0x3e: {  	_ =	shalt  }
0x3f: {  	_ =	shalt  }
0x40: {  	_ =	shalt  }
0x41: {  	_ =	shalt  }
0x42: {  	_ =	shalt  }
0x43: {  	_ =	shalt  }
0x44: {  	_ =	shalt  }
0x45: {  	_ =	shalt  }
0x46: {  	_ =	shalt  }
0x47: {  	_ =	shalt  }
0x48: {  	_ =	shalt  }
0x49: {  	_ =	shalt  }
0x4a: {  	_ =	shalt  }
0x4b: {  	_ =	shalt  }
0x4c: {  	_ =	shalt  }
0x4d: {  	_ =	shalt  }
0x4e: {  	_ =	shalt  }
0x4f: {  	_ =	shalt  }
0x50: {  	_ =	shalt  }
0x51: {  	_ =	shalt  }
0x52: {  	_ =	shalt  }
0x53: {  	_ =	shalt  }
0x54: {  	_ =	shalt  }
0x55: {  	_ =	shalt  }
0x56: {  	_ =	shalt  }
0x57: {  	_ =	shalt  }
0x58: {  	_ =	shalt  }
0x59: {  	_ =	shalt  }
0x5a: {  	_ =	shalt  }
0x5b: {  	_ =	shalt  }
0x5c: {  	_ =	shalt  }
0x5d: {  	_ =	shalt  }
0x5e: {  	_ =	shalt  }
0x5f: {  	_ =	shalt  }
0x60: {  	_ =	shalt  }
0x61: {  	_ =	shalt  }
0x62: {  	_ =	shalt  }
0x63: {  	_ =	shalt  }
0x64: {  	_ =	shalt  }
0x65: {  	_ =	shalt  }
0x66: {  	_ =	shalt  }
0x67: {  	_ =	shalt  }
0x68: {  	_ =	shalt  }
0x69: {  	_ =	shalt  }
0x6a: {  	_ =	shalt  }
0x6b: {  	_ =	shalt  }
0x6c: {  	_ =	shalt  }
0x6d: {  	_ =	shalt  }
0x6e: {  	_ =	shalt  }
0x6f: {  	_ =	shalt  }
0x70: {  	_ =	shalt  }
0x71: {  	_ =	shalt  }
0x72: {  	_ =	shalt  }
0x73: {  	_ =	shalt  }
0x74: {  	_ =	shalt  }
0x75: {  	_ =	shalt  }
0x76: {  	_ =	shalt  }
0x77: {  	_ =	shalt  }
0x78: {  	_ =	shalt  }
0x79: {  	_ =	shalt  }
0x7a: {  	_ =	shalt  }
0x7b: {  	_ =	shalt  }
0x7c: {  	_ =	shalt  }
0x7d: {  	_ =	shalt  }
0x7e: {  	_ =	shalt  }
0x7f: {  	_ =	shalt  }
0x80: {  	_ =	shalt  }
0x81: {  	_ =	shalt  }
0x82: {  	_ =	shalt  }
0x83: {  	_ =	shalt  }
0x84: {  	_ =	shalt  }
0x85: {  	_ =	shalt  }
0x86: {  	_ =	shalt  }
0x87: {  	_ =	shalt  }
.Lfunc_end0:
.L_simem_size_0:
called_computation_lowered:
.L_overlay_start_0:
0x88: {  	s2 =	sld [smem:$0x3FD9]  }
0x89: {  	s3 =	sld [smem:$0x3FFE];
	_ =	sdelay $0x1  }
0x8a: {  	s1 =	srdreg.scid  }
0x8b: {  	s0 =	sand.u32 $0x1, s1  }
0x8c: {  	s14 =	sshll.u32 s0, $0xA;
	s2 =	sadd.s32 s3, s2  }
0x8d: {  	s2 =	sadd.s32 s2, s14  }
0x8e: {  	[smem:$0x3FC5] =	sst s2  }
0x8f: {  	_ = 	snop  }
0x90: {  	s2 =	sld [smem:$0x3FD0];
	_ =	sdelay $0x2  }
0x91: {  	s15 =	simm.s32 $0xA;
	s4 =	simm.s32 $0x10  }
0x92: {  	[smem:s4], [sflag:s15] =	dma.local [hbm:s2], $0x1  }
0x93: {  	_ =	swait.eq [sflag:s15], $0x1  }
0x94: {  	[sflag:s15] =	ssyncset.done $0x0  }
0x95: {  	s16 =	sld [smem:$0x10];
	[sflag:s15] =	ssyncadd.s32 $0xFFFFFFFF  }
0x96: {  	s17 =	sld [smem:$0x11];
	(tm) =	ssettm $0x1  }
0x97: {  	s18 =	sld [smem:$0x3FFB];
	_ =	sdelay $0x3  }
0x98: {  	_ =	strace s18  }
0x99: {  	s4 =	sld [smem:$0x3FFC];
	_ =	sdelay $0x3  }
0x9a: {  	_ =	strace s4  }
0x9b: {  	s4 =	sld [smem:$0x3FFD];
	_ =	sdelay $0x3  }
0x9c: {  	_ =	strace s4  }
0x9d: {  	_ =	strace $0x8FFFFFFF  }
0x9e: {  	s19 =	sld [smem:$0x3FDB];
	_ =	sdelay $0x1  }
0x9f: {  	s5 =	simm.s32 $_scs_section_size  }
0xa0: {  	s6 =	simm.s32 $_size__tile_overlayer_lowered;
	s7 =	simm.s32 $_tile_overlayer_lowered  }
0xa1: {  	s22 =	simm.s32 $0x1BFF;
	s21 =	sshll.u32 s7, $0x1;
	s4 =	sadd.s32 s5, s19  }
0xa2: {  	s8 =	simm.s32 $0x0;
	s20 =	sshll.u32 s6, $0x1;
	s6 =	sadd.s32 s21, s4  }
0xa3: {  	[timem:s8], [sflag:s22] =	dma.local [hbm:s6], s20  }
0xa4: {  	_ =	swait.ge [sflag:s22], s20  }
0xa5: {  	s5 =	ssub.s32 $0x0, s20;
	[sflag:s22] =	ssyncset.done $0x0  }
0xa6: {  	[sflag:s22] =	ssyncadd.s32 s5;
	_ =	sdelay $0x1  }
0xa7: {  	s23 =	simm.s32 $0x1B8B  }
0xa8: {  	_ =	swait.ge [sflag:s23], $0x1  }
0xa9: {  	[sflag:s23] =	ssyncset.done $0x0  }
0xaa: {  	s25 =	simm.s32 $0x1B8E;
	s24 =	sld [smem:$0x3FFE];
	[sflag:s23] =	ssyncadd.s32 $0xFFFFFFFF  }
0xab: {  	s26 =	simm.s32 $execute0_lowered;
	[smem:$0x3FD2] =	sst s25  }
0xac: {  	s6 =	sshll.u32 s26, $0x1;
	_ =	strace $0x80000046;
	[dreg:$0x1] =	wrdreg $0xFFFFFFFF  }
0xad: {  	s28 =	simm.s32 $_size_execute0_lowered;
	s4 =	sadd.s32 s4, s6;
	[dreg:$0x0] =	wrdreg $0x0  }
0xae: {  	s6 =	sshll.u32 s28, $0x1;
	[dreg:$0x2] =	wrdreg s4  }
0xaf: {  	[dreg:$0x3] =	wrdreg s6  }
0xb0: {  	[dreg:$0x4] =	wrdreg $0xC0  }
0xb1: {  	_ =	task [dreg:s8], $0x5FFFF  }
0xb2: {  	[dreg:$0x1] =	wrdreg $0xFFFFFFFF  }
0xb3: {  	[dreg:$0x0] =	wrdreg $0x60  }
0xb4: {  	[dreg:$0x2] =	wrdreg s16  }
0xb5: {  	[dreg:$0x3] =	wrdreg s24  }
0xb6: {  	[dreg:$0x4] =	wrdreg s17  }
0xb7: {  	[dreg:$0x5] =	wrdreg $0x9  }
0xb8: {  	_ =	task.clear_ibuf [dreg:s8], $0x6FFFF;
	_ =	strace $0x90000046  }
0xb9: {  	s29 =	simm.s32 $0x9;
	_ =	strace $0x80000048  }
0xba: {  	_ =	swait.ge [sflag:s29], $0x1  }
0xbb: {  	[sflag:s29] =	ssyncadd.s32 $0xFFFFFFFF  }
0xbc: {  	_ =	strace $0x90000048  }
0xbd: {  	_ =	sfence  }
0xbe: {  	s30 =	sld [smem:$0x0];
	_ =	sdelay $0x2  }
0xbf: {  	s31 =	sshll.u32 s1, $0xD;
	s1 =	sshrl.u32 s1, $0x2  }
0xc0: {  	s3 =	sand.u32 $0x4000, s31;
	s1 =	sadd.s32 s1, s30  }
0xc1: {  	s0 =	sor.u32 s3, s0;
	s1 =	sshll.u32 s1, $0x11  }
0xc2: {  	s0 =	sor.u32 s1, s0  }
0xc3: {  	s0 =	sadd.s32 $0x8F2B, s0  }
0xc4: {  	[sflag:s0] =	ssyncadd.remote.s32 $0x1  }
0xc5: {  	_ =	sfence.sel $0xFFFF  }
0xc6: {  	[dreg:$0x0] =	wrdreg $0xFFFFFFFF;
	(pc) =	sbr.abs _section_cstart, $3  }
0xc7: {  	[dreg:$0x1] =	wrdreg $0xFFFFFFFF  }
0xc8: {  	_ =	task.clear_ibuf [dreg:s8], $0x2FFFF;
	_ =	strace $0x9FFFFFFF  }
0xc9: {  	(tm) =	ssettm $0x7FFFFFFF  }
tec
execute0_lowered:
.L_overlay_start_1:
0x0: {  	(tag) =	ssettag $0x1  }
0x1: {  	s3 =	rddreg [dreg:$0x0]  }
0x2: {  	s4 =	rddreg [dreg:$0x1]  }
0x3: {  	s5 =	rddreg [dreg:$0x2]  }
0x4: {  	s2 =	srdreg.scid;
	s1 =	stileid.u32  }
0x5: {  	s0 =	rddreg [dreg:$0x3];
	s6 =	sand.u32 $0x1, s2;
	s7 =	sshll.u32 s1, $0x1  }
0x6: {  	s10 =	simm.s32 $0x0;
	s2 =	simm.s32 $0x0;
	s7 =	sor.u32 s6, s7  }
0x7: {  	s6 =	ssub.s32 $0x2, s6;
	[smem:$0x7FF] =	sst s2;
	s8 =	sshll.u32 s7, $0xA  }
0x8: {  	s9 =	sshrl.u32 s6, $0x1;
	_ =	strace $0x80000047;
	s7 =	sshll.u32 s7, $0x7  }
0x9: {  	s4 =	sadd.s32 s8, s4;
	s6 =	ssub.s32 s6, s9;
	s3 =	sadd.s32 s3, s8  }
0xa: {  	v0 =	vlaneseq.u32;
	v1 =	vimm.s32 $0x0;
	s5 =	sadd.s32 s5, s7;
	s7 =	simm.s32 $0x1;
	s8 =	simm.s32 $0x2000  }
0xb: {  	v2 =	vimm.f32 $0.0e+00;
	v3 =	vimm.f32 $1.000000000e+00;
	v0 =	vmul.u32 $0x8, v0;
	s9 =	simm.s32 $0x4000;
	s4 =	sadd.s32 $0xA00, s4;
	s6 =	smax.u32 s6, $0x1  }
.LBB2_1:
0xc: {  	v4 =	vmov s2  }
0xd: {  	v4 =	vshll.u32 v4, $0x3  }
0xe: {  	v4 =	vor.u32 v0, v4  }
0xf: {  	[tilespmem:s2], [sflag:$0x1] =	stream.linear.gather [hbm4b:s3+s2], $0x2000, $0x38;
	v5 =	vor.u32 $0x1, v4;
	[tilespmem:$0x4400] =	vst v63  }
0x10: {  	_ =	swait.ge [sflag:s7], $0x2000  }
0x11: {  	[sflag:s7] =	ssyncset.done $0x0;
	v6 =	vor.u32 $0x2, v4  }
0x12: {  	[sflag:s7] =	ssyncadd.s32 $0xFFFFE000  }
0x13: {  	v8 =	vor.u32 $0x3, v4;
	v7 =	vld.idx.msk [tilespmem:v4+s2+$0x0], $0xffff  }
0x14: {  	v9 =	vld.idx.msk [tilespmem:v5+s2+$0x0], $0xffff  }
0x15: {  	v10 =	vor.u32 $0x4, v4  }
0x16: {  	v11 =	vld.idx.msk [tilespmem:v6+s2+$0x0], $0xffff  }
0x17: {  	v12 =	vor.u32 $0x5, v4  }
0x18: {  	v13 =	vld.idx.msk [tilespmem:v8+s2+$0x0], $0xffff  }
0x19: {  	v14 =	vor.u32 $0x6, v4;
	vm0 =	vgt.f32 v9, v7  }
0x1a: {  	v15 =	vld.idx.msk [tilespmem:v10+s2+$0x0], $0xffff;
	v9 =	vsel vm0, v9, v7  }
0x1b: {  	v7 =	vor.u32 $0x7, v4;
	vm1 =	vgt.f32 v11, v9  }
0x1c: {  	v16 =	vld.idx.msk [tilespmem:v12+s2+$0x0], $0xffff;
	v9 =	vsel vm1, v11, v9  }
0x1d: {  	vm2 =	vgt.f32 v13, v9  }
0x1e: {  	v11 =	vld.idx.msk [tilespmem:v14+s2+$0x0], $0xffff;
	v9 =	vsel vm2, v13, v9  }
0x1f: {  	vm3 =	vgt.f32 v15, v9  }
0x20: {  	v62 =	vld.idx.msk [tilespmem:v7+s2+$0x0], $0xffff;
	v9 =	vsel vm3, v15, v9  }
0x21: {  	v63 =	vsel vm0, $0x1, v1;
	vm7 =	vgt.f32 v16, v9  }
0x22: {  	v15 =	vsel vm1, $0x2, v63;
	v9 =	vsel vm7, v16, v9  }
0x23: {  	v15 =	vsel vm2, $0x3, v15;
	vm8 =	vgt.f32 v11, v9  }
0x24: {  	v15 =	vsel vm3, $0x4, v15;
	v9 =	vsel vm8, v11, v9  }
0x25: {  	v11 =	vsel vm7, $0x5, v15;
	vm9 =	vgt.f32 v62, v9  }
0x26: {  	v9 =	vsel vm8, $0x6, v11;
	vm0 =	vmneg vm9  }
0x27: {  	v9 =	vnsel vm0, $0x7, v9  }
0x28: {  	vm10 =	veq.s32 v9, $0x0  }
0x29: {  	vm11 =	veq.s32 v9, $0x1;
	[tilespmem:s9+$0x0] =	vst v9;
	v11 =	vsel vm10, $0x3F800000, v2  }
0x2a: {  	vm12 =	veq.s32 v9, $0x2;
	[tilespmem:v4+s8+$0x0] =	vst.idx.msk $0xffff, v11;
	v4 =	vsel vm11, $0x3F800000, v2  }
0x2b: {  	s11 =	simm.s32 $0x10;
	vm13 =	veq.s32 v9, $0x3;
	[tilespmem:v5+s8+$0x0] =	vst.idx.msk $0xffff, v4;
	v4 =	vsel vm12, $0x3F800000, v2  }
0x2c: {  	vm14 =	veq.s32 v9, $0x4;
	v5 =	vmov s11;
	[tilespmem:v6+s8+$0x0] =	vst.idx.msk $0xffff, v4;
	v4 =	vsel vm13, $0x3F800000, v2  }
0x2d: {  	vm15 =	veq.s32 v9, $0x5;
	v5 =	vshll.u32 v5, $0x3;
	[tilespmem:v8+s8+$0x0] =	vst.idx.msk $0xffff, v4;
	v4 =	vsel vm14, $0x3F800000, v2  }
0x2e: {  	vm1 =	vmand vm8, vm0;
	v6 =	vsel vm15, $0x3F800000, v2;
	[tilespmem:v10+s8+$0x0] =	vst.idx.msk $0xffff, v4;
	v4 =	vor.u32 v0, v5  }
0x2f: {  	v8 =	vsel vm1, $0x3F800000, v2;
	[tilespmem:v12+s8+$0x0] =	vst.idx.msk $0xffff, v6;
	v5 =	vor.u32 $0x1, v4  }
0x30: {  	s12 =	simm.s32 $0x20;
	s11 =	simm.s32 $0x4000;
	v6 =	vor.u32 $0x2, v4;
	[tilespmem:v14+s8+$0x0] =	vst.idx.msk $0xffff, v8;
	v8 =	vsel vm0, $0x0, v3  }
.LBB2_2:
0x31: {  	p0 =	sne.s32 s12, $0x3F0  }
0x32: {  	[tilespmem:v7+s8+$0x0] =	vst.idx.msk $0xffff, v8;
	s11 =	sadd.s32 $0x10, s11;
	s13 =	smov.u32 s12;
	s12 =	sadd.s32 $0x10, s12  }
0x33: {  	v8 =	vor.u32 $0x3, v4;
	v7 =	vld.idx.msk [tilespmem:v4+s2+$0x0], $0xffff  }
0x34: {  	v9 =	vld.idx.msk [tilespmem:v5+s2+$0x0], $0xffff  }
0x35: {  	v10 =	vor.u32 $0x4, v4  }
0x36: {  	v11 =	vld.idx.msk [tilespmem:v6+s2+$0x0], $0xffff  }
0x37: {  	v12 =	vor.u32 $0x5, v4  }
0x38: {  	v13 =	vld.idx.msk [tilespmem:v8+s2+$0x0], $0xffff  }
0x39: {  	v14 =	vor.u32 $0x6, v4  }
0x3a: {  	vm0 =	vgt.f32 v9, v7;
	v15 =	vld.idx.msk [tilespmem:v10+s2+$0x0], $0xffff  }
0x3b: {  	v9 =	vsel vm0, v9, v7;
	v7 =	vor.u32 $0x7, v4  }
0x3c: {  	vm1 =	vgt.f32 v11, v9;
	v16 =	vld.idx.msk [tilespmem:v12+s2+$0x0], $0xffff  }
0x3d: {  	v9 =	vsel vm1, v11, v9  }
0x3e: {  	vm2 =	vgt.f32 v13, v9;
	v11 =	vld.idx.msk [tilespmem:v14+s2+$0x0], $0xffff  }
0x3f: {  	v9 =	vsel vm2, v13, v9  }
0x40: {  	vm3 =	vgt.f32 v15, v9;
	v13 =	vld.idx.msk [tilespmem:v7+s2+$0x0], $0xffff  }
0x41: {  	v9 =	vsel vm3, v15, v9  }
0x42: {  	v15 =	vsel vm0, $0x1, v1;
	vm0 =	vgt.f32 v16, v9  }
0x43: {  	v15 =	vsel vm1, $0x2, v15;
	v9 =	vsel vm0, v16, v9  }
0x44: {  	v15 =	vsel vm2, $0x3, v15;
	vm1 =	vgt.f32 v11, v9  }
0x45: {  	v15 =	vsel vm3, $0x4, v15;
	v9 =	vsel vm1, v11, v9  }
0x46: {  	v11 =	vsel vm0, $0x5, v15;
	vm0 =	vgt.f32 v13, v9  }
0x47: {  	v9 =	vsel vm1, $0x6, v11;
	vm0 =	vmneg vm0  }
0x48: {  	v9 =	vnsel vm0, $0x7, v9;
	vm1 =	vmand vm1, vm0  }
0x49: {  	vm2 =	veq.s32 v9, $0x0;
	vm3 =	veq.s32 v9, $0x1;
	vm4 =	veq.s32 v9, $0x2  }
0x4a: {  	vm5 =	veq.s32 v9, $0x4;
	v11 =	vsel vm2, $0x3F800000, v2;
	vm2 =	veq.s32 v9, $0x3;
	[tilespmem:s11+$0x0] =	vst v9  }
0x4b: {  	[tilespmem:v4+s8+$0x0] =	vst.idx.msk $0xffff, v11;
	v4 =	vsel vm3, $0x3F800000, v2;
	vm3 =	veq.s32 v9, $0x5  }
0x4c: {  	v9 =	vmov s13;
	[tilespmem:v5+s8+$0x0] =	vst.idx.msk $0xffff, v4;
	v4 =	vsel vm4, $0x3F800000, v2  }
.Ltmp0:
0x4d: {  	v5 =	vshll.u32 v9, $0x3;
	[tilespmem:v6+s8+$0x0] =	vst.idx.msk $0xffff, v4;
	v6 =	vsel vm2, $0x3F800000, v2;
	(pc) =	sbr.rel @p0 .LBB2_2-.Ltmp0, $4  }
0x4e: {  	v4 =	vor.u32 v0, v5;
	[tilespmem:v8+s8+$0x0] =	vst.idx.msk $0xffff, v6;
	v6 =	vsel vm5, $0x3F800000, v2  }
0x4f: {  	v5 =	vor.u32 $0x1, v4;
	[tilespmem:v10+s8+$0x0] =	vst.idx.msk $0xffff, v6;
	v6 =	vsel vm3, $0x3F800000, v2  }
0x50: {  	v8 =	vsel vm1, $0x3F800000, v2;
	[tilespmem:v12+s8+$0x0] =	vst.idx.msk $0xffff, v6  }
0x51: {  	v6 =	vor.u32 $0x2, v4;
	[tilespmem:v14+s8+$0x0] =	vst.idx.msk $0xffff, v8;
	v8 =	vsel vm0, $0x0, v3  }
0x52: {  	_ =	sdelay $0x3  }
0x53: {  	[tilespmem:v7+s8+$0x0] =	vst.idx.msk $0xffff, v8  }
0x54: {  	v56 =	vor.u32 $0x3, v4;
	v7 =	vld.idx.msk [tilespmem:v4+s2+$0x0], $0xffff  }
0x55: {  	v9 =	vld.idx.msk [tilespmem:v5+s2+$0x0], $0xffff  }
0x56: {  	v10 =	vor.u32 $0x4, v4  }
0x57: {  	v11 =	vld.idx.msk [tilespmem:v6+s2+$0x0], $0xffff  }
0x58: {  	v12 =	vor.u32 $0x5, v4  }
0x59: {  	v13 =	vld.idx.msk [tilespmem:v56+s2+$0x0], $0xffff  }
0x5a: {  	v14 =	vor.u32 $0x6, v4;
	vm0 =	vgt.f32 v9, v7  }
0x5b: {  	v15 =	vld.idx.msk [tilespmem:v10+s2+$0x0], $0xffff;
	v7 =	vsel vm0, v9, v7  }
0x5c: {  	v57 =	vor.u32 $0x7, v4;
	vm1 =	vgt.f32 v11, v7  }
0x5d: {  	v16 =	vld.idx.msk [tilespmem:v12+s2+$0x0], $0xffff;
	v7 =	vsel vm1, v11, v7  }
0x5e: {  	vm2 =	vgt.f32 v13, v7  }
0x5f: {  	v58 =	vld.idx.msk [tilespmem:v14+s2+$0x0], $0xffff;
	v7 =	vsel vm2, v13, v7  }
0x60: {  	vm3 =	vgt.f32 v15, v7  }
0x61: {  	v59 =	vld.idx.msk [tilespmem:v57+s2+$0x0], $0xffff;
	v7 =	vsel vm3, v15, v7  }
0x62: {  	v60 =	vsel vm0, $0x1, v1;
	vm7 =	vgt.f32 v16, v7  }
0x63: {  	v15 =	vsel vm1, $0x2, v60;
	v7 =	vsel vm7, v16, v7  }
0x64: {  	v15 =	vsel vm2, $0x3, v15;
	vm8 =	vgt.f32 v58, v7  }
0x65: {  	v15 =	vsel vm3, $0x4, v15;
	v7 =	vsel vm8, v58, v7  }
0x66: {  	v61 =	vsel vm7, $0x5, v15;
	vm9 =	vgt.f32 v59, v7  }
0x67: {  	v62 =	vsel vm8, $0x6, v61;
	vm0 =	vmneg vm9  }
0x68: {  	v7 =	vnsel vm0, $0x7, v62  }
0x69: {  	s11 =	sadd.s32 $0x10, s11;
	vm10 =	veq.s32 v7, $0x0  }
0x6a: {  	vm11 =	veq.s32 v7, $0x1;
	[tilespmem:s11+$0x0] =	vst v7;
	v63 =	vsel vm10, $0x3F800000, v2  }
0x6b: {  	vm12 =	veq.s32 v7, $0x2;
	[tilespmem:v4+s8+$0x0] =	vst.idx.msk $0xffff, v63;
	v4 =	vsel vm11, $0x3F800000, v2  }
0x6c: {  	vm13 =	veq.s32 v7, $0x3;
	[tilespmem:v5+s8+$0x0] =	vst.idx.msk $0xffff, v4;
	v4 =	vsel vm12, $0x3F800000, v2  }
0x6d: {  	vm14 =	veq.s32 v7, $0x4;
	[tilespmem:v6+s8+$0x0] =	vst.idx.msk $0xffff, v4;
	v4 =	vsel vm13, $0x3F800000, v2  }
0x6e: {  	vm15 =	veq.s32 v7, $0x5;
	[tilespmem:v56+s8+$0x0] =	vst.idx.msk $0xffff, v4;
	v4 =	vsel vm14, $0x3F800000, v2  }
0x6f: {  	vm1 =	vmand vm8, vm0;
	[tilespmem:v10+s8+$0x0] =	vst.idx.msk $0xffff, v4;
	v4 =	vsel vm15, $0x3F800000, v2  }
0x70: {  	[tilespmem:v12+s8+$0x0] =	vst.idx.msk $0xffff, v4;
	v4 =	vsel vm1, $0x3F800000, v2  }
0x71: {  	[tilespmem:v14+s8+$0x0] =	vst.idx.msk $0xffff, v4;
	v4 =	vsel vm0, $0x0, v3  }
0x72: {  	[tilespmem:v57+s8+$0x0] =	vst.idx.msk $0xffff, v4  }
0x73: {  	[hbm4b:s4+s2] =	stream.linear.scatter [tilespmem:s8], [sflag:$0x1], $0x2000, $0x38;
	[tilespmem:$0x4400] =	vst v63  }
0x74: {  	s10 =	sadd.s32 $0x1, s10;
	_ =	swait.ge [sflag:s7], $0x2000  }
0x75: {  	p0 =	sne.s32 s10, s6;
	[sflag:s7] =	ssyncset.done $0x0  }
.Ltmp1:
0x76: {  	[sflag:s7] =	ssyncadd.s32 $0xFFFFE000;
	(pc) =	sbr.rel @p0 .LBB2_1-.Ltmp1, $4  }
0x77: {  	[hbm4b:s5+s2] =	stream.linear.scatter [tilespmem:s9], [sflag:$0x1], $0x400, $0x38;
	[tilespmem:$0x4400] =	vst v63  }
0x78: {  	_ =	swait.ge [sflag:s7], $0x400  }
0x79: {  	[sflag:s7] =	ssyncset.done $0x0  }
0x7a: {  	[sflag:s7] =	ssyncadd.s32 $0xFFFFFC00  }
0x7b: {  	_ =	sfence.sel $0x180000  }
0x7c: {  	[bflag:$0x0] =	sbarrier.arrive $0xFFFF  }
0x7d: {  	p0 =	sne.s32 s1, $0x0;
	_ =	strace $0x90000047  }
0x7e: {  	s0 =	sadd.s32 @!p0 $0x100000, s0;
	[bflag:$0x2] =	sbarrier.arrive $0xFFFF  }
0x7f: {  	[sflag:s0] =	ssyncadd.tile.s32 @!p0 $0x1;
	_ =	shalt  }
.Lfunc_end2:
_tile_overlayer_lowered:
.L_overlay_start_2:
0x80: {  	(tag) =	ssettag $0x2  }
0x81: {  	s0 =	rddreg [dreg:$0x0];
	s2 =	stileid.u32  }
0x82: {  	s1 =	rddreg [dreg:$0x1];
	p0 =	sne.s32 s2, $0x0  }
0x83: {  	s3 =	rddreg [dreg:$0x2];
	[bflag:$0x3] =	sbarrier.arrive $0xFFFF;
	s2 =	simm.s32 @!p0 $0x1C01  }
0x84: {  	[timem:s3], [sflag:s2] =	dma.local @!p0 [hbm:s0], s1  }
0x85: {  	s0 =	simm.s32 @!p0 $0x1  }
0x86: {  	_ =	swait.ge @!p0 [sflag:s0], s1  }
0x87: {  	s1 =	ssub.s32 @!p0 $0x0, s1;
	[sflag:s0] =	ssyncset.done @!p0 $0x0  }
0x88: {  	[sflag:s0] =	ssyncadd.s32 @!p0 s1  }
0x89: {  	[bflag:$0x3] =	sbarrier.arrive $0xFFFF  }
0x8a: {  	_ =	shalt  }

</sc_bundles>
